<compile_context>
chip_gen: v7x
topology: tpu7x:2x2x1
jax: 0.10.2.dev20260603
libtpu: 0.0.44.dev20260713+nightly
codegen_flags: <defaults>
</compile_context>

<pallas_src>
import functools

import jax
import jax.numpy as jnp
from jax import lax
from jax.experimental import pallas as pl
from jax.experimental.pallas import tpu as pltpu
from jax.experimental.pallas import tpu_sc as plsc

_M, _K = 2, 3
_NNZ = 6
_L = 16
_NC, _NS = 2, 16
_NW = _NC * _NS
_N = 1024
_CHUNK = _N // _NW


def _sc_body(y_hbm, coo_hbm, out_hbm, coo_v, y_v, o_v, dense_v, sem):
    wid = lax.axis_index("s") * _NC + lax.axis_index("c")
    base = pl.multiple_of(wid * _CHUNK, _CHUNK)

    cps = [pltpu.async_copy(coo_hbm, coo_v, sem)]
    for j in range(_K):
        cps.append(pltpu.async_copy(y_hbm.at[j, pl.ds(base, _CHUNK)],
                                    y_v.at[j], sem))
    for cp in cps:
        cp.wait()

    r = coo_v[0, :]
    c = coo_v[1, :]
    v = lax.bitcast_convert_type(coo_v[2, :], jnp.float32)
    ids = r * _K + c
    dense_v[...] = jnp.zeros((_L,), jnp.float32)
    plsc.addupdate_scatter(dense_v, [ids], v)
    d = dense_v[...]

    def bcast(slot):
        idx = jnp.full((_L, 1), slot, jnp.int32)
        return lax.gather(
            d, idx,
            dimension_numbers=lax.GatherDimensionNumbers(
                offset_dims=(), collapsed_slice_dims=(0,),
                start_index_map=(0,)),
            slice_sizes=(1,),
            mode=lax.GatherScatterMode.PROMISE_IN_BOUNDS)

    coef = [[bcast(i * _K + j) for j in range(_K)] for i in range(_M)]

    yv = [[y_v[j, pl.ds(h * _L, _L)] for h in range(_CHUNK // _L)]
          for j in range(_K)]
    for i in range(_M):
        for h in range(_CHUNK // _L):
            acc = coef[i][0] * yv[0][h]
            for j in range(1, _K):
                acc = acc + coef[i][j] * yv[j][h]
            o_v[i, pl.ds(h * _L, _L)] = acc

    ocps = [pltpu.async_copy(o_v.at[i], out_hbm.at[i, pl.ds(base, _CHUNK)],
                             sem) for i in range(_M)]
    for cp in ocps:
        cp.wait()


def kernel(y, xind, xval):
    xind32 = xind.astype(jnp.int32)
    pad = _L - _NNZ
    coo = jnp.stack([
        jnp.concatenate([xind32[0], jnp.full((pad,), _M, jnp.int32)]),
        jnp.concatenate([xind32[1], jnp.full((pad,), _K, jnp.int32)]),
        jax.lax.bitcast_convert_type(
            jnp.concatenate([xval, jnp.zeros((pad,), jnp.float32)]),
            jnp.int32),
    ])

    mesh = plsc.VectorSubcoreMesh(core_axis_name="c", subcore_axis_name="s")
    run = functools.partial(
        pl.kernel,
        mesh=mesh,
        out_type=jax.ShapeDtypeStruct((_M, _N), jnp.float32),
        scratch_types=[
            pltpu.VMEM((_K, _L), jnp.int32),
            pltpu.VMEM((_K, _CHUNK), jnp.float32),
            pltpu.VMEM((_M, _CHUNK), jnp.float32),
            pltpu.VMEM((_L,), jnp.float32),
            pltpu.SemaphoreType.DMA,
        ],
        compiler_params=pltpu.CompilerParams(needs_layout_passes=False),
    )(_sc_body)
    return run(y, coo)

# --- scband reference (transcript-rebuilt; emitter-appended) ---
"""Pipeline reference for scband-my-model-61933428410403 (READ-ONLY COPY).

The authoritative reference and input builder live on the scoring server;
editing this copy changes nothing except your own understanding.
"""

import jax, jax.numpy as jnp
import numpy as np

def setup_inputs(seed: int = 0) -> dict:
    key = jax.random.key(seed)
    k1, = jax.random.split(key, 1)
    y = jax.random.normal(k1, (3, 1024), dtype=jnp.float32)
    xind = jnp.array([[0, 0, 0, 1, 1, 1], [0, 1, 2, 0, 1, 2]], dtype=jnp.int64)
    xval = jnp.array([0.5, -1.2, 0.3, 2.0, -0.7, 1.1], dtype=jnp.float32)
    return {"y": y, "xind": xind, "xval": xval}

def reference(y, xind, xval):
    # Build the (2,3) sparse COO matrix as dense via scatter-add (duplicates sum, matching COO semantics)
    x = jnp.zeros((2, 3), dtype=xval.dtype).at[xind[0], xind[1]].add(xval)
    return jnp.matmul(x, y)

if __name__ == "__main__":
    import jax
    _d = setup_inputs()
    print(jax.jit(kernel)(*tuple(_d.values())))

</pallas_src>

<mosaic_0001>
#map = affine_map<(d0, d1) -> (0, 0)>
module attributes {stable_mosaic.version = 14 : i64} {
  func.func @_sc_body(%arg0: i32, %arg1: i32, %arg2: memref<3x1024xf32, #tpu.memory_space<hbm>>, %arg3: memref<3x16xi32, #tpu.memory_space<hbm>>, %arg4: memref<2x1024xf32, #tpu.memory_space<hbm>>, %arg5: memref<3x16xi32, #tpu.memory_space<vmem>>, %arg6: memref<3x32xf32, #tpu.memory_space<vmem>>, %arg7: memref<2x32xf32, #tpu.memory_space<vmem>>, %arg8: memref<16xf32, #tpu.memory_space<vmem>>, %arg9: memref<!tpu.dma_semaphore, #tpu.memory_space<semaphore_mem>>) attributes {dimension_semantics = [#tpu.dimension_semantics<core_parallel>, #tpu.dimension_semantics<subcore_parallel>], iteration_bounds = array<i64: 2, 16>, scalar_prefetch = 0 : i64, scratch_operands = 5 : i64, tpu.core_type = #tpu.core_type<sc_vector_subcore>, window_params = [{transform_indices = #map}, {transform_indices = #map}, {transform_indices = #map}]} {
    %mul3A = arith.constant 2 : i32
    %mul3A_0 = arith.muli %arg1, %mul3A : i32
    %add3A = arith.addi %mul3A_0, %arg0 : i32
    %mul3A_1 = arith.constant 32 : i32
    %mul3A_2 = arith.muli %add3A, %mul3A_1 : i32
    %multiple_of3A = tpu.assume_multiple %mul3A_2, 32 : i32
    tpu.enqueue_dma source(%arg3 : memref<3x16xi32, #tpu.memory_space<hbm>>) target(%arg5 : memref<3x16xi32, #tpu.memory_space<vmem>>) target_semaphore(%arg9 : memref<!tpu.dma_semaphore, #tpu.memory_space<semaphore_mem>>)
    %dma_start3A = arith.constant 0 : i32
    %dma_start3A_3 = arith.constant 0 : i32
    %dma_start3A_4 = arith.constant 0 : i32
    %dma_start3A_5 = tpu.memref_slice %arg6[%dma_start3A_3, %dma_start3A_4] : memref<3x32xf32, #tpu.memory_space<vmem>> -> memref<1x32xf32, #tpu.memory_space<vmem>>
    %dma_start3A_6 = tpu.memref_squeeze %dma_start3A_5 : memref<1x32xf32, #tpu.memory_space<vmem>> -> memref<32xf32, #tpu.memory_space<vmem>>
    %dma_start3A_7 = tpu.memref_slice %arg2[%dma_start3A, %multiple_of3A] : memref<3x1024xf32, #tpu.memory_space<hbm>> -> memref<1x32xf32, #tpu.memory_space<hbm>>
    %dma_start3A_8 = tpu.memref_squeeze %dma_start3A_7 : memref<1x32xf32, #tpu.memory_space<hbm>> -> memref<32xf32, #tpu.memory_space<hbm>>
    %dma_start3A_9 = arith.constant 0 : i32
    %dma_start3A_10 = tpu.memref_slice %arg6[%dma_start3A_3, %dma_start3A_9] : memref<3x32xf32, #tpu.memory_space<vmem>> -> memref<1x32xf32, #tpu.memory_space<vmem>>
    %dma_start3A_11 = tpu.memref_squeeze %dma_start3A_10 : memref<1x32xf32, #tpu.memory_space<vmem>> -> memref<32xf32, #tpu.memory_space<vmem>>
    %dma_start3A_12 = tpu.memref_slice %arg2[%dma_start3A, %multiple_of3A] : memref<3x1024xf32, #tpu.memory_space<hbm>> -> memref<1x32xf32, #tpu.memory_space<hbm>>
    %dma_start3A_13 = tpu.memref_squeeze %dma_start3A_12 : memref<1x32xf32, #tpu.memory_space<hbm>> -> memref<32xf32, #tpu.memory_space<hbm>>
    tpu.enqueue_dma source(%dma_start3A_13 : memref<32xf32, #tpu.memory_space<hbm>>) target(%dma_start3A_11 : memref<32xf32, #tpu.memory_space<vmem>>) target_semaphore(%arg9 : memref<!tpu.dma_semaphore, #tpu.memory_space<semaphore_mem>>)
    %dma_start3A_14 = arith.constant 1 : i32
    %dma_start3A_15 = arith.constant 1 : i32
    %dma_start3A_16 = arith.constant 0 : i32
    %dma_start3A_17 = tpu.memref_slice %arg6[%dma_start3A_15, %dma_start3A_16] : memref<3x32xf32, #tpu.memory_space<vmem>> -> memref<1x32xf32, #tpu.memory_space<vmem>>
    %dma_start3A_18 = tpu.memref_squeeze %dma_start3A_17 : memref<1x32xf32, #tpu.memory_space<vmem>> -> memref<32xf32, #tpu.memory_space<vmem>>
    %dma_start3A_19 = tpu.memref_slice %arg2[%dma_start3A_14, %multiple_of3A] : memref<3x1024xf32, #tpu.memory_space<hbm>> -> memref<1x32xf32, #tpu.memory_space<hbm>>
    %dma_start3A_20 = tpu.memref_squeeze %dma_start3A_19 : memref<1x32xf32, #tpu.memory_space<hbm>> -> memref<32xf32, #tpu.memory_space<hbm>>
    %dma_start3A_21 = arith.constant 0 : i32
    %dma_start3A_22 = tpu.memref_slice %arg6[%dma_start3A_15, %dma_start3A_21] : memref<3x32xf32, #tpu.memory_space<vmem>> -> memref<1x32xf32, #tpu.memory_space<vmem>>
    %dma_start3A_23 = tpu.memref_squeeze %dma_start3A_22 : memref<1x32xf32, #tpu.memory_space<vmem>> -> memref<32xf32, #tpu.memory_space<vmem>>
    %dma_start3A_24 = tpu.memref_slice %arg2[%dma_start3A_14, %multiple_of3A] : memref<3x1024xf32, #tpu.memory_space<hbm>> -> memref<1x32xf32, #tpu.memory_space<hbm>>
    %dma_start3A_25 = tpu.memref_squeeze %dma_start3A_24 : memref<1x32xf32, #tpu.memory_space<hbm>> -> memref<32xf32, #tpu.memory_space<hbm>>
    tpu.enqueue_dma source(%dma_start3A_25 : memref<32xf32, #tpu.memory_space<hbm>>) target(%dma_start3A_23 : memref<32xf32, #tpu.memory_space<vmem>>) target_semaphore(%arg9 : memref<!tpu.dma_semaphore, #tpu.memory_space<semaphore_mem>>)
    %dma_start3A_26 = arith.constant 2 : i32
    %dma_start3A_27 = arith.constant 2 : i32
    %dma_start3A_28 = arith.constant 0 : i32
    %dma_start3A_29 = tpu.memref_slice %arg6[%dma_start3A_27, %dma_start3A_28] : memref<3x32xf32, #tpu.memory_space<vmem>> -> memref<1x32xf32, #tpu.memory_space<vmem>>
    %dma_start3A_30 = tpu.memref_squeeze %dma_start3A_29 : memref<1x32xf32, #tpu.memory_space<vmem>> -> memref<32xf32, #tpu.memory_space<vmem>>
    %dma_start3A_31 = tpu.memref_slice %arg2[%dma_start3A_26, %multiple_of3A] : memref<3x1024xf32, #tpu.memory_space<hbm>> -> memref<1x32xf32, #tpu.memory_space<hbm>>
    %dma_start3A_32 = tpu.memref_squeeze %dma_start3A_31 : memref<1x32xf32, #tpu.memory_space<hbm>> -> memref<32xf32, #tpu.memory_space<hbm>>
    %dma_start3A_33 = arith.constant 0 : i32
    %dma_start3A_34 = tpu.memref_slice %arg6[%dma_start3A_27, %dma_start3A_33] : memref<3x32xf32, #tpu.memory_space<vmem>> -> memref<1x32xf32, #tpu.memory_space<vmem>>
    %dma_start3A_35 = tpu.memref_squeeze %dma_start3A_34 : memref<1x32xf32, #tpu.memory_space<vmem>> -> memref<32xf32, #tpu.memory_space<vmem>>
    %dma_start3A_36 = tpu.memref_slice %arg2[%dma_start3A_26, %multiple_of3A] : memref<3x1024xf32, #tpu.memory_space<hbm>> -> memref<1x32xf32, #tpu.memory_space<hbm>>
    %dma_start3A_37 = tpu.memref_squeeze %dma_start3A_36 : memref<1x32xf32, #tpu.memory_space<hbm>> -> memref<32xf32, #tpu.memory_space<hbm>>
    tpu.enqueue_dma source(%dma_start3A_37 : memref<32xf32, #tpu.memory_space<hbm>>) target(%dma_start3A_35 : memref<32xf32, #tpu.memory_space<vmem>>) target_semaphore(%arg9 : memref<!tpu.dma_semaphore, #tpu.memory_space<semaphore_mem>>)
    tpu.wait_dma2 semaphore(%arg9 : memref<!tpu.dma_semaphore, #tpu.memory_space<semaphore_mem>>) src(%arg3 : memref<3x16xi32, #tpu.memory_space<hbm>>) dst(%arg5 : memref<3x16xi32, #tpu.memory_space<vmem>>)
    %dma_wait3A = arith.constant 0 : i32
    %dma_wait3A_38 = arith.constant 0 : i32
    %dma_wait3A_39 = arith.constant 0 : i32
    %dma_wait3A_40 = tpu.memref_slice %arg6[%dma_wait3A_38, %dma_wait3A_39] : memref<3x32xf32, #tpu.memory_space<vmem>> -> memref<1x32xf32, #tpu.memory_space<vmem>>
    %dma_wait3A_41 = tpu.memref_squeeze %dma_wait3A_40 : memref<1x32xf32, #tpu.memory_space<vmem>> -> memref<32xf32, #tpu.memory_space<vmem>>
    %dma_wait3A_42 = tpu.memref_slice %arg2[%dma_wait3A, %multiple_of3A] : memref<3x1024xf32, #tpu.memory_space<hbm>> -> memref<1x32xf32, #tpu.memory_space<hbm>>
    %dma_wait3A_43 = tpu.memref_squeeze %dma_wait3A_42 : memref<1x32xf32, #tpu.memory_space<hbm>> -> memref<32xf32, #tpu.memory_space<hbm>>
    %dma_wait3A_44 = arith.constant 0 : i32
    %dma_wait3A_45 = tpu.memref_slice %arg6[%dma_wait3A_38, %dma_wait3A_44] : memref<3x32xf32, #tpu.memory_space<vmem>> -> memref<1x32xf32, #tpu.memory_space<vmem>>
    %dma_wait3A_46 = tpu.memref_squeeze %dma_wait3A_45 : memref<1x32xf32, #tpu.memory_space<vmem>> -> memref<32xf32, #tpu.memory_space<vmem>>
    %dma_wait3A_47 = tpu.memref_slice %arg2[%dma_wait3A, %multiple_of3A] : memref<3x1024xf32, #tpu.memory_space<hbm>> -> memref<1x32xf32, #tpu.memory_space<hbm>>
    %dma_wait3A_48 = tpu.memref_squeeze %dma_wait3A_47 : memref<1x32xf32, #tpu.memory_space<hbm>> -> memref<32xf32, #tpu.memory_space<hbm>>
    tpu.wait_dma2 semaphore(%arg9 : memref<!tpu.dma_semaphore, #tpu.memory_space<semaphore_mem>>) src(%dma_wait3A_48 : memref<32xf32, #tpu.memory_space<hbm>>) dst(%dma_wait3A_46 : memref<32xf32, #tpu.memory_space<vmem>>)
    %dma_wait3A_49 = arith.constant 1 : i32
    %dma_wait3A_50 = arith.constant 1 : i32
    %dma_wait3A_51 = arith.constant 0 : i32
    %dma_wait3A_52 = tpu.memref_slice %arg6[%dma_wait3A_50, %dma_wait3A_51] : memref<3x32xf32, #tpu.memory_space<vmem>> -> memref<1x32xf32, #tpu.memory_space<vmem>>
    %dma_wait3A_53 = tpu.memref_squeeze %dma_wait3A_52 : memref<1x32xf32, #tpu.memory_space<vmem>> -> memref<32xf32, #tpu.memory_space<vmem>>
    %dma_wait3A_54 = tpu.memref_slice %arg2[%dma_wait3A_49, %multiple_of3A] : memref<3x1024xf32, #tpu.memory_space<hbm>> -> memref<1x32xf32, #tpu.memory_space<hbm>>
    %dma_wait3A_55 = tpu.memref_squeeze %dma_wait3A_54 : memref<1x32xf32, #tpu.memory_space<hbm>> -> memref<32xf32, #tpu.memory_space<hbm>>
    %dma_wait3A_56 = arith.constant 0 : i32
    %dma_wait3A_57 = tpu.memref_slice %arg6[%dma_wait3A_50, %dma_wait3A_56] : memref<3x32xf32, #tpu.memory_space<vmem>> -> memref<1x32xf32, #tpu.memory_space<vmem>>
    %dma_wait3A_58 = tpu.memref_squeeze %dma_wait3A_57 : memref<1x32xf32, #tpu.memory_space<vmem>> -> memref<32xf32, #tpu.memory_space<vmem>>
    %dma_wait3A_59 = tpu.memref_slice %arg2[%dma_wait3A_49, %multiple_of3A] : memref<3x1024xf32, #tpu.memory_space<hbm>> -> memref<1x32xf32, #tpu.memory_space<hbm>>
    %dma_wait3A_60 = tpu.memref_squeeze %dma_wait3A_59 : memref<1x32xf32, #tpu.memory_space<hbm>> -> memref<32xf32, #tpu.memory_space<hbm>>
    tpu.wait_dma2 semaphore(%arg9 : memref<!tpu.dma_semaphore, #tpu.memory_space<semaphore_mem>>) src(%dma_wait3A_60 : memref<32xf32, #tpu.memory_space<hbm>>) dst(%dma_wait3A_58 : memref<32xf32, #tpu.memory_space<vmem>>)
    %dma_wait3A_61 = arith.constant 2 : i32
    %dma_wait3A_62 = arith.constant 2 : i32
    %dma_wait3A_63 = arith.constant 0 : i32
    %dma_wait3A_64 = tpu.memref_slice %arg6[%dma_wait3A_62, %dma_wait3A_63] : memref<3x32xf32, #tpu.memory_space<vmem>> -> memref<1x32xf32, #tpu.memory_space<vmem>>
    %dma_wait3A_65 = tpu.memref_squeeze %dma_wait3A_64 : memref<1x32xf32, #tpu.memory_space<vmem>> -> memref<32xf32, #tpu.memory_space<vmem>>
    %dma_wait3A_66 = tpu.memref_slice %arg2[%dma_wait3A_61, %multiple_of3A] : memref<3x1024xf32, #tpu.memory_space<hbm>> -> memref<1x32xf32, #tpu.memory_space<hbm>>
    %dma_wait3A_67 = tpu.memref_squeeze %dma_wait3A_66 : memref<1x32xf32, #tpu.memory_space<hbm>> -> memref<32xf32, #tpu.memory_space<hbm>>
    %dma_wait3A_68 = arith.constant 0 : i32
    %dma_wait3A_69 = tpu.memref_slice %arg6[%dma_wait3A_62, %dma_wait3A_68] : memref<3x32xf32, #tpu.memory_space<vmem>> -> memref<1x32xf32, #tpu.memory_space<vmem>>
    %dma_wait3A_70 = tpu.memref_squeeze %dma_wait3A_69 : memref<1x32xf32, #tpu.memory_space<vmem>> -> memref<32xf32, #tpu.memory_space<vmem>>
    %dma_wait3A_71 = tpu.memref_slice %arg2[%dma_wait3A_61, %multiple_of3A] : memref<3x1024xf32, #tpu.memory_space<hbm>> -> memref<1x32xf32, #tpu.memory_space<hbm>>
    %dma_wait3A_72 = tpu.memref_squeeze %dma_wait3A_71 : memref<1x32xf32, #tpu.memory_space<hbm>> -> memref<32xf32, #tpu.memory_space<hbm>>
    tpu.wait_dma2 semaphore(%arg9 : memref<!tpu.dma_semaphore, #tpu.memory_space<semaphore_mem>>) src(%dma_wait3A_72 : memref<32xf32, #tpu.memory_space<hbm>>) dst(%dma_wait3A_70 : memref<32xf32, #tpu.memory_space<vmem>>)
    %get3A = arith.constant 0 : i32
    %get3A_73 = arith.index_cast %get3A : i32 to index
    %get3A_74 = arith.constant 0 : index
    %get3A_75 = tpu.vector_load %arg5[%get3A_73, %get3A_74] {strides = array<i32>} : memref<3x16xi32, #tpu.memory_space<vmem>>, vector<16xi32>,
    %get3A_76 = arith.constant 1 : i32
    %get3A_77 = arith.index_cast %get3A_76 : i32 to index
    %get3A_78 = arith.constant 0 : index
    %get3A_79 = tpu.vector_load %arg5[%get3A_77, %get3A_78] {strides = array<i32>} : memref<3x16xi32, #tpu.memory_space<vmem>>, vector<16xi32>,
    %get3A_80 = arith.constant 2 : i32
    %get3A_81 = arith.index_cast %get3A_80 : i32 to index
    %get3A_82 = arith.constant 0 : index
    %get3A_83 = tpu.vector_load %arg5[%get3A_81, %get3A_82] {strides = array<i32>} : memref<3x16xi32, #tpu.memory_space<vmem>>, vector<16xi32>,
    %bitcast_convert_type3A = tpu.bitcast %get3A_83 : vector<16xi32> -> vector<16xf32>
    %mul3A_84 = arith.constant 3 : i32
    %mul3A_85 = vector.broadcast %mul3A_84 : i32 to vector<16xi32>
    %mul3A_86 = arith.muli %get3A_75, %mul3A_85 : vector<16xi32>
    %add3A_87 = arith.addi %mul3A_86, %get3A_79 : vector<16xi32>
    %broadcast_in_dim3A = arith.constant 0.000000e+00 : f32
    %broadcast_in_dim3A_88 = vector.broadcast %broadcast_in_dim3A : f32 to vector<16xf32>
    %swap3A = arith.constant 0 : index
    %swap3A_89 = tpu.vector_load %arg8[%swap3A] {strides = array<i32>} : memref<16xf32, #tpu.memory_space<vmem>>, vector<16xf32>,
    tpu.vector_store %arg8[%swap3A], %broadcast_in_dim3A_88 {strides = array<i32>} : memref<16xf32, #tpu.memory_space<vmem>>, vector<16xf32>,
    tpu.vector_store_idx %arg8[%add3A_87], %bitcast_convert_type3A {add = true} : memref<16xf32, #tpu.memory_space<vmem>>[vector<16xi32>], vector<16xf32>,
    %get3A_90 = arith.constant 0 : index
    %get3A_91 = tpu.vector_load %arg8[%get3A_90] {strides = array<i32>} : memref<16xf32, #tpu.memory_space<vmem>>, vector<16xf32>,
    %broadcast_in_dim3A_92 = arith.constant 0 : i32
    %broadcast_in_dim3A_93 = vector.broadcast %broadcast_in_dim3A_92 : i32 to vector<16x1xi32>
    %gather3A = vector.shape_cast %broadcast_in_dim3A_93 : vector<16x1xi32> to vector<16xi32>
    %gather3A_94 = tpu.dynamic_gather %get3A_91[%gather3A] in [0] : vector<16xf32>, vector<16xi32> -> vector<16xf32>
    %broadcast_in_dim3A_95 = arith.constant 1 : i32
    %broadcast_in_dim3A_96 = vector.broadcast %broadcast_in_dim3A_95 : i32 to vector<16x1xi32>
    %gather3A_97 = vector.shape_cast %broadcast_in_dim3A_96 : vector<16x1xi32> to vector<16xi32>
    %gather3A_98 = tpu.dynamic_gather %get3A_91[%gather3A_97] in [0] : vector<16xf32>, vector<16xi32> -> vector<16xf32>
    %broadcast_in_dim3A_99 = arith.constant 2 : i32
    %broadcast_in_dim3A_100 = vector.broadcast %broadcast_in_dim3A_99 : i32 to vector<16x1xi32>
    %gather3A_101 = vector.shape_cast %broadcast_in_dim3A_100 : vector<16x1xi32> to vector<16xi32>
    %gather3A_102 = tpu.dynamic_gather %get3A_91[%gather3A_101] in [0] : vector<16xf32>, vector<16xi32> -> vector<16xf32>
    %broadcast_in_dim3A_103 = arith.constant 3 : i32
    %broadcast_in_dim3A_104 = vector.broadcast %broadcast_in_dim3A_103 : i32 to vector<16x1xi32>
    %gather3A_105 = vector.shape_cast %broadcast_in_dim3A_104 : vector<16x1xi32> to vector<16xi32>
    %gather3A_106 = tpu.dynamic_gather %get3A_91[%gather3A_105] in [0] : vector<16xf32>, vector<16xi32> -> vector<16xf32>
    %broadcast_in_dim3A_107 = arith.constant 4 : i32
    %broadcast_in_dim3A_108 = vector.broadcast %broadcast_in_dim3A_107 : i32 to vector<16x1xi32>
    %gather3A_109 = vector.shape_cast %broadcast_in_dim3A_108 : vector<16x1xi32> to vector<16xi32>
    %gather3A_110 = tpu.dynamic_gather %get3A_91[%gather3A_109] in [0] : vector<16xf32>, vector<16xi32> -> vector<16xf32>
    %broadcast_in_dim3A_111 = arith.constant 5 : i32
    %broadcast_in_dim3A_112 = vector.broadcast %broadcast_in_dim3A_111 : i32 to vector<16x1xi32>
    %gather3A_113 = vector.shape_cast %broadcast_in_dim3A_112 : vector<16x1xi32> to vector<16xi32>
    %gather3A_114 = tpu.dynamic_gather %get3A_91[%gather3A_113] in [0] : vector<16xf32>, vector<16xi32> -> vector<16xf32>
    %get3A_115 = arith.constant 0 : i32
    %get3A_116 = arith.index_cast %get3A_115 : i32 to index
    %get3A_117 = arith.constant 0 : index
    %get3A_118 = tpu.vector_load %arg6[%get3A_116, %get3A_117] {strides = array<i32>} : memref<3x32xf32, #tpu.memory_space<vmem>>, vector<16xf32>,
    %get3A_119 = arith.constant 0 : i32
    %get3A_120 = arith.index_cast %get3A_119 : i32 to index
    %get3A_121 = arith.constant 16 : index
    %get3A_122 = tpu.vector_load %arg6[%get3A_120, %get3A_121] {strides = array<i32>} : memref<3x32xf32, #tpu.memory_space<vmem>>, vector<16xf32>,
    %get3A_123 = arith.constant 1 : i32
    %get3A_124 = arith.index_cast %get3A_123 : i32 to index
    %get3A_125 = arith.constant 0 : index
    %get3A_126 = tpu.vector_load %arg6[%get3A_124, %get3A_125] {strides = array<i32>} : memref<3x32xf32, #tpu.memory_space<vmem>>, vector<16xf32>,
    %get3A_127 = arith.constant 1 : i32
    %get3A_128 = arith.index_cast %get3A_127 : i32 to index
    %get3A_129 = arith.constant 16 : index
    %get3A_130 = tpu.vector_load %arg6[%get3A_128, %get3A_129] {strides = array<i32>} : memref<3x32xf32, #tpu.memory_space<vmem>>, vector<16xf32>,
    %get3A_131 = arith.constant 2 : i32
    %get3A_132 = arith.index_cast %get3A_131 : i32 to index
    %get3A_133 = arith.constant 0 : index
    %get3A_134 = tpu.vector_load %arg6[%get3A_132, %get3A_133] {strides = array<i32>} : memref<3x32xf32, #tpu.memory_space<vmem>>, vector<16xf32>,
    %get3A_135 = arith.constant 2 : i32
    %get3A_136 = arith.index_cast %get3A_135 : i32 to index
    %get3A_137 = arith.constant 16 : index
    %get3A_138 = tpu.vector_load %arg6[%get3A_136, %get3A_137] {strides = array<i32>} : memref<3x32xf32, #tpu.memory_space<vmem>>, vector<16xf32>,
    %mul3A_139 = arith.mulf %gather3A_94, %get3A_118 : vector<16xf32>
    %mul3A_140 = arith.mulf %gather3A_98, %get3A_126 : vector<16xf32>
    %add3A_141 = arith.addf %mul3A_139, %mul3A_140 : vector<16xf32>
    %mul3A_142 = arith.mulf %gather3A_102, %get3A_134 : vector<16xf32>
    %add3A_143 = arith.addf %add3A_141, %mul3A_142 : vector<16xf32>
    %swap3A_144 = arith.constant 0 : i32
    %swap3A_145 = arith.index_cast %swap3A_144 : i32 to index
    %swap3A_146 = arith.constant 0 : index
    %swap3A_147 = tpu.vector_load %arg7[%swap3A_145, %swap3A_146] {strides = array<i32>} : memref<2x32xf32, #tpu.memory_space<vmem>>, vector<16xf32>,
    tpu.vector_store %arg7[%swap3A_145, %swap3A_146], %add3A_143 {strides = array<i32>} : memref<2x32xf32, #tpu.memory_space<vmem>>, vector<16xf32>,
    %mul3A_148 = arith.mulf %gather3A_94, %get3A_122 : vector<16xf32>
    %mul3A_149 = arith.mulf %gather3A_98, %get3A_130 : vector<16xf32>
    %add3A_150 = arith.addf %mul3A_148, %mul3A_149 : vector<16xf32>
    %mul3A_151 = arith.mulf %gather3A_102, %get3A_138 : vector<16xf32>
    %add3A_152 = arith.addf %add3A_150, %mul3A_151 : vector<16xf32>
    %swap3A_153 = arith.constant 0 : i32
    %swap3A_154 = arith.index_cast %swap3A_153 : i32 to index
    %swap3A_155 = arith.constant 16 : index
    %swap3A_156 = tpu.vector_load %arg7[%swap3A_154, %swap3A_155] {strides = array<i32>} : memref<2x32xf32, #tpu.memory_space<vmem>>, vector<16xf32>,
    tpu.vector_store %arg7[%swap3A_154, %swap3A_155], %add3A_152 {strides = array<i32>} : memref<2x32xf32, #tpu.memory_space<vmem>>, vector<16xf32>,
    %mul3A_157 = arith.mulf %gather3A_106, %get3A_118 : vector<16xf32>
    %mul3A_158 = arith.mulf %gather3A_110, %get3A_126 : vector<16xf32>
    %add3A_159 = arith.addf %mul3A_157, %mul3A_158 : vector<16xf32>
    %mul3A_160 = arith.mulf %gather3A_114, %get3A_134 : vector<16xf32>
    %add3A_161 = arith.addf %add3A_159, %mul3A_160 : vector<16xf32>
    %swap3A_162 = arith.constant 1 : i32
    %swap3A_163 = arith.index_cast %swap3A_162 : i32 to index
    %swap3A_164 = arith.constant 0 : index
    %swap3A_165 = tpu.vector_load %arg7[%swap3A_163, %swap3A_164] {strides = array<i32>} : memref<2x32xf32, #tpu.memory_space<vmem>>, vector<16xf32>,
    tpu.vector_store %arg7[%swap3A_163, %swap3A_164], %add3A_161 {strides = array<i32>} : memref<2x32xf32, #tpu.memory_space<vmem>>, vector<16xf32>,
    %mul3A_166 = arith.mulf %gather3A_106, %get3A_122 : vector<16xf32>
    %mul3A_167 = arith.mulf %gather3A_110, %get3A_130 : vector<16xf32>
    %add3A_168 = arith.addf %mul3A_166, %mul3A_167 : vector<16xf32>
    %mul3A_169 = arith.mulf %gather3A_114, %get3A_138 : vector<16xf32>
    %add3A_170 = arith.addf %add3A_168, %mul3A_169 : vector<16xf32>
    %swap3A_171 = arith.constant 1 : i32
    %swap3A_172 = arith.index_cast %swap3A_171 : i32 to index
    %swap3A_173 = arith.constant 16 : index
    %swap3A_174 = tpu.vector_load %arg7[%swap3A_172, %swap3A_173] {strides = array<i32>} : memref<2x32xf32, #tpu.memory_space<vmem>>, vector<16xf32>,
    tpu.vector_store %arg7[%swap3A_172, %swap3A_173], %add3A_170 {strides = array<i32>} : memref<2x32xf32, #tpu.memory_space<vmem>>, vector<16xf32>,
    %dma_start3A_175 = arith.constant 0 : i32
    %dma_start3A_176 = arith.constant 0 : i32
    %dma_start3A_177 = arith.constant 0 : i32
    %dma_start3A_178 = tpu.memref_slice %arg7[%dma_start3A_175, %dma_start3A_177] : memref<2x32xf32, #tpu.memory_space<vmem>> -> memref<1x32xf32, #tpu.memory_space<vmem>>
    %dma_start3A_179 = tpu.memref_squeeze %dma_start3A_178 : memref<1x32xf32, #tpu.memory_space<vmem>> -> memref<32xf32, #tpu.memory_space<vmem>>
    %dma_start3A_180 = tpu.memref_slice %arg4[%dma_start3A_176, %multiple_of3A] : memref<2x1024xf32, #tpu.memory_space<hbm>> -> memref<1x32xf32, #tpu.memory_space<hbm>>
    %dma_start3A_181 = tpu.memref_squeeze %dma_start3A_180 : memref<1x32xf32, #tpu.memory_space<hbm>> -> memref<32xf32, #tpu.memory_space<hbm>>
    %dma_start3A_182 = tpu.memref_slice %arg4[%dma_start3A_176, %multiple_of3A] : memref<2x1024xf32, #tpu.memory_space<hbm>> -> memref<1x32xf32, #tpu.memory_space<hbm>>
    %dma_start3A_183 = tpu.memref_squeeze %dma_start3A_182 : memref<1x32xf32, #tpu.memory_space<hbm>> -> memref<32xf32, #tpu.memory_space<hbm>>
    %dma_start3A_184 = arith.constant 0 : i32
    %dma_start3A_185 = tpu.memref_slice %arg7[%dma_start3A_175, %dma_start3A_184] : memref<2x32xf32, #tpu.memory_space<vmem>> -> memref<1x32xf32, #tpu.memory_space<vmem>>
    %dma_start3A_186 = tpu.memref_squeeze %dma_start3A_185 : memref<1x32xf32, #tpu.memory_space<vmem>> -> memref<32xf32, #tpu.memory_space<vmem>>
    tpu.enqueue_dma source(%dma_start3A_186 : memref<32xf32, #tpu.memory_space<vmem>>) target(%dma_start3A_183 : memref<32xf32, #tpu.memory_space<hbm>>) target_semaphore(%arg9 : memref<!tpu.dma_semaphore, #tpu.memory_space<semaphore_mem>>)
    %dma_start3A_187 = arith.constant 1 : i32
    %dma_start3A_188 = arith.constant 1 : i32
    %dma_start3A_189 = arith.constant 0 : i32
    %dma_start3A_190 = tpu.memref_slice %arg7[%dma_start3A_187, %dma_start3A_189] : memref<2x32xf32, #tpu.memory_space<vmem>> -> memref<1x32xf32, #tpu.memory_space<vmem>>
    %dma_start3A_191 = tpu.memref_squeeze %dma_start3A_190 : memref<1x32xf32, #tpu.memory_space<vmem>> -> memref<32xf32, #tpu.memory_space<vmem>>
    %dma_start3A_192 = tpu.memref_slice %arg4[%dma_start3A_188, %multiple_of3A] : memref<2x1024xf32, #tpu.memory_space<hbm>> -> memref<1x32xf32, #tpu.memory_space<hbm>>
    %dma_start3A_193 = tpu.memref_squeeze %dma_start3A_192 : memref<1x32xf32, #tpu.memory_space<hbm>> -> memref<32xf32, #tpu.memory_space<hbm>>
    %dma_start3A_194 = tpu.memref_slice %arg4[%dma_start3A_188, %multiple_of3A] : memref<2x1024xf32, #tpu.memory_space<hbm>> -> memref<1x32xf32, #tpu.memory_space<hbm>>
    %dma_start3A_195 = tpu.memref_squeeze %dma_start3A_194 : memref<1x32xf32, #tpu.memory_space<hbm>> -> memref<32xf32, #tpu.memory_space<hbm>>
    %dma_start3A_196 = arith.constant 0 : i32
    %dma_start3A_197 = tpu.memref_slice %arg7[%dma_start3A_187, %dma_start3A_196] : memref<2x32xf32, #tpu.memory_space<vmem>> -> memref<1x32xf32, #tpu.memory_space<vmem>>
    %dma_start3A_198 = tpu.memref_squeeze %dma_start3A_197 : memref<1x32xf32, #tpu.memory_space<vmem>> -> memref<32xf32, #tpu.memory_space<vmem>>
    tpu.enqueue_dma source(%dma_start3A_198 : memref<32xf32, #tpu.memory_space<vmem>>) target(%dma_start3A_195 : memref<32xf32, #tpu.memory_space<hbm>>) target_semaphore(%arg9 : memref<!tpu.dma_semaphore, #tpu.memory_space<semaphore_mem>>)
    %dma_wait3A_199 = arith.constant 0 : i32
    %dma_wait3A_200 = arith.constant 0 : i32
    %dma_wait3A_201 = arith.constant 0 : i32
    %dma_wait3A_202 = tpu.memref_slice %arg7[%dma_wait3A_199, %dma_wait3A_201] : memref<2x32xf32, #tpu.memory_space<vmem>> -> memref<1x32xf32, #tpu.memory_space<vmem>>
    %dma_wait3A_203 = tpu.memref_squeeze %dma_wait3A_202 : memref<1x32xf32, #tpu.memory_space<vmem>> -> memref<32xf32, #tpu.memory_space<vmem>>
    %dma_wait3A_204 = tpu.memref_slice %arg4[%dma_wait3A_200, %multiple_of3A] : memref<2x1024xf32, #tpu.memory_space<hbm>> -> memref<1x32xf32, #tpu.memory_space<hbm>>
    %dma_wait3A_205 = tpu.memref_squeeze %dma_wait3A_204 : memref<1x32xf32, #tpu.memory_space<hbm>> -> memref<32xf32, #tpu.memory_space<hbm>>
    %dma_wait3A_206 = tpu.memref_slice %arg4[%dma_wait3A_200, %multiple_of3A] : memref<2x1024xf32, #tpu.memory_space<hbm>> -> memref<1x32xf32, #tpu.memory_space<hbm>>
    %dma_wait3A_207 = tpu.memref_squeeze %dma_wait3A_206 : memref<1x32xf32, #tpu.memory_space<hbm>> -> memref<32xf32, #tpu.memory_space<hbm>>
    %dma_wait3A_208 = arith.constant 0 : i32
    %dma_wait3A_209 = tpu.memref_slice %arg7[%dma_wait3A_199, %dma_wait3A_208] : memref<2x32xf32, #tpu.memory_space<vmem>> -> memref<1x32xf32, #tpu.memory_space<vmem>>
    %dma_wait3A_210 = tpu.memref_squeeze %dma_wait3A_209 : memref<1x32xf32, #tpu.memory_space<vmem>> -> memref<32xf32, #tpu.memory_space<vmem>>
    tpu.wait_dma2 semaphore(%arg9 : memref<!tpu.dma_semaphore, #tpu.memory_space<semaphore_mem>>) src(%dma_wait3A_210 : memref<32xf32, #tpu.memory_space<vmem>>) dst(%dma_wait3A_207 : memref<32xf32, #tpu.memory_space<hbm>>)
    %dma_wait3A_211 = arith.constant 1 : i32
    %dma_wait3A_212 = arith.constant 1 : i32
    %dma_wait3A_213 = arith.constant 0 : i32
    %dma_wait3A_214 = tpu.memref_slice %arg7[%dma_wait3A_211, %dma_wait3A_213] : memref<2x32xf32, #tpu.memory_space<vmem>> -> memref<1x32xf32, #tpu.memory_space<vmem>>
    %dma_wait3A_215 = tpu.memref_squeeze %dma_wait3A_214 : memref<1x32xf32, #tpu.memory_space<vmem>> -> memref<32xf32, #tpu.memory_space<vmem>>
    %dma_wait3A_216 = tpu.memref_slice %arg4[%dma_wait3A_212, %multiple_of3A] : memref<2x1024xf32, #tpu.memory_space<hbm>> -> memref<1x32xf32, #tpu.memory_space<hbm>>
    %dma_wait3A_217 = tpu.memref_squeeze %dma_wait3A_216 : memref<1x32xf32, #tpu.memory_space<hbm>> -> memref<32xf32, #tpu.memory_space<hbm>>
    %dma_wait3A_218 = tpu.memref_slice %arg4[%dma_wait3A_212, %multiple_of3A] : memref<2x1024xf32, #tpu.memory_space<hbm>> -> memref<1x32xf32, #tpu.memory_space<hbm>>
    %dma_wait3A_219 = tpu.memref_squeeze %dma_wait3A_218 : memref<1x32xf32, #tpu.memory_space<hbm>> -> memref<32xf32, #tpu.memory_space<hbm>>
    %dma_wait3A_220 = arith.constant 0 : i32
    %dma_wait3A_221 = tpu.memref_slice %arg7[%dma_wait3A_211, %dma_wait3A_220] : memref<2x32xf32, #tpu.memory_space<vmem>> -> memref<1x32xf32, #tpu.memory_space<vmem>>
    %dma_wait3A_222 = tpu.memref_squeeze %dma_wait3A_221 : memref<1x32xf32, #tpu.memory_space<vmem>> -> memref<32xf32, #tpu.memory_space<vmem>>
    tpu.wait_dma2 semaphore(%arg9 : memref<!tpu.dma_semaphore, #tpu.memory_space<semaphore_mem>>) src(%dma_wait3A_222 : memref<32xf32, #tpu.memory_space<vmem>>) dst(%dma_wait3A_219 : memref<32xf32, #tpu.memory_space<hbm>>)
    return
  }
}

</mosaic_0001>

<sc_bundles>
// kernel: kernel.3.cloned.1.call-start
scs
__scs_entry_jumppad:
0x0: {  	(pc) =	sbr.rel $0x88, $3  }
0x1: {  	(tag) =	ssettag $0x0;
	lr =	simm.s32 $0x1  }
0x2: {  	[smem:$0x3F9E] =	sst lr;
	_ =	strace $0xD0000000  }
0x3: {  	_ = 	snop  }
0x4: {  	_ = 	snop  }
0x5: {  	_ = 	snop  }
0x6: {  	_ = 	snop  }
0x7: {  	_ = 	snop  }
__scs_overlays_trampoline_lowered:
0x8: {  	[smem:$0x3FAD] =	sst s0  }
0x9: {  	[smem:$0x3FAE] =	sst s1  }
0xa: {  	[smem:$0x3FAF] =	sst s2  }
0xb: {  	[smem:$0x3FB0] =	sst s3  }
0xc: {  	[smem:$0x3FB1] =	sst s4  }
0xd: {  	[smem:$0x3FB2] =	sst s5  }
0xe: {  	[smem:$0x3FB3] =	sst s6  }
0xf: {  	[smem:$0x3FB4] =	sst s7  }
0x10: {  	[smem:$0x3FB5] =	sst s8  }
0x11: {  	[smem:$0x3FB6] =	sst s9;
	s0 =	simm.s32 @!p0 $0x0  }
0x12: {  	s1 =	sld [smem:$0x3F9C];
	s0 =	simm.s32 @p0 $0x1  }
0x13: {  	[smem:$0x3FB7] =	sst s0;
	s0 =	simm.s32 @!p1 $0x0  }
0x14: {  	s2 =	sld [smem:$0x3F9B];
	s0 =	simm.s32 @p1 $0x1  }
0x15: {  	[smem:$0x3FB8] =	sst s0;
	s0 =	simm.s32 @!p2 $0x0  }
0x16: {  	s3 =	sld [smem:$0x3FDB];
	s0 =	simm.s32 @p2 $0x1  }
0x17: {  	s4 =	simm.s32 $0x1BF5;
	[smem:$0x3FBA] =	sst s0  }
0x18: {  	s0 =	sld [smem:$0x3F9D];
	_ =	swait.ge [sflag:s4], $0x0  }
0x19: {  	s7 =	sld [smem:$0x3F9E]  }
0x1a: {  	s8 =	sadd.s32 $0xFFFFE003, lr  }
0x1b: {  	s9 =	sadd.s32 $0xFFFFFEF7, lr;
	s5 =	simm.s32 $0xFFFFFFFF;
	p2 =	slt.u32 s8, $0xFFFFF086  }
0x1c: {  	p1 =	slt.u32 s9, $0xF7A;
	s5 =	simm.s32 @!p2 $0x0  }
0x1d: {  	s5 =	simm.s32 @p1 $0x1;
	p0 =	seq.s32 s7, s2  }
0x1e: {  	s7 =	smul.u32 @!p0 $0xF7A, s2;
	p2 =	seq.s32 @!p0 s5, $0x0  }
0x1f: {  	s9 =	smul.u32 $0xF7A, s1;
	s8 =	simm.s32 @!p0 $0x1BF5;
	p2 =	por !p2, p0  }
0x20: {  	[sflag:s8] =	ssyncset.s32 @!p0 $0xFFFFF086;
	s6 =	sadd.s32 @!p0 s3, s7;
	s7 =	simm.s32 @!p0 $0x108  }
0x21: {  	s3 =	sadd.s32 s3, s9;
	s6 =	sadd.s32 @!p0 $0x88, s6;
	s7 =	simm.s32 @p2 $0x1082  }
0x22: {  	[simem:s7], [sflag:s8] =	dma.local @!p0 [hbm:s6], $0xF7A  }
0x23: {  	s9 =	sor.u32 $0xD0000000, s2;
	s6 =	simm.s32 $0x108;
	_ =	swait.ge @!p0 [sflag:s8], $0x0  }
0x24: {  	s3 =	sadd.s32 $0x88, s3;
	s6 =	simm.s32 @!p1 $0x1082;
	[sflag:s4] =	ssyncset.s32 $0xFFFFF086  }
0x25: {  	[simem:s6], [sflag:s4] =	dma.local [hbm:s3], $0xF7A  }
0x26: {  	[smem:$0x3F9E] =	sst s1;
	(tag) =	ssettag s2;
	_ =	strace s9  }
0x27: {  	s1 =	sld [smem:$0x3FAE]  }
0x28: {  	s2 =	sld [smem:$0x3FAF]  }
0x29: {  	s4 =	sld [smem:$0x3FB1]  }
0x2a: {  	p0 =	seq.s32 s5, $0x0;
	s5 =	sld [smem:$0x3FB2]  }
0x2b: {  	s6 =	sld [smem:$0x3FB3]  }
0x2c: {  	s7 =	sld [smem:$0x3FB4]  }
0x2d: {  	s3 =	simm.s32 $0x108;
	s8 =	sld [smem:$0x3FB5]  }
0x2e: {  	s3 =	simm.s32 @!p0 $0x1082;
	s9 =	sld [smem:$0x3FB6]  }
0x2f: {  	lr =	sadd.s32 s0, s3;
	s0 =	sld [smem:$0x3FAD]  }
0x30: {  	s3 =	sld [smem:$0x3FB0]  }
0x31: {  	[smem:$0x3FB9] =	sst s10  }
0x32: {  	s10 =	sld [smem:$0x3FB7];
	_ =	sdelay $0x3  }
0x33: {  	p0 =	seq.s32 s10, $0x1;
	s10 =	sld [smem:$0x3FB9];
	_ =	sdelay $0x3  }
0x34: {  	[smem:$0x3FB9] =	sst s10  }
0x35: {  	s10 =	sld [smem:$0x3FB8];
	_ =	sdelay $0x3  }
0x36: {  	p1 =	seq.s32 s10, $0x1;
	s10 =	sld [smem:$0x3FB9];
	_ =	sdelay $0x3  }
0x37: {  	[smem:$0x3FB9] =	sst s10  }
0x38: {  	s10 =	sld [smem:$0x3FBA]  }
0x39: {  	_ = 	snop;
	(pc) =	sbr.ind lr, $3  }
0x3a: {  	_ = 	snop  }
0x3b: {  	_ = 	snop  }
0x3c: {  	p2 =	seq.s32 s10, $0x1;
	s10 =	sld [smem:$0x3FB9]  }
0x3d: {  	_ =	shalt  }
0x3e: {  	_ =	shalt  }
0x3f: {  	_ =	shalt  }
0x40: {  	_ =	shalt  }
0x41: {  	_ =	shalt  }
0x42: {  	_ =	shalt  }
0x43: {  	_ =	shalt  }
0x44: {  	_ =	shalt  }
0x45: {  	_ =	shalt  }
0x46: {  	_ =	shalt  }
0x47: {  	_ =	shalt  }
0x48: {  	_ =	shalt  }
0x49: {  	_ =	shalt  }
0x4a: {  	_ =	shalt  }
0x4b: {  	_ =	shalt  }
0x4c: {  	_ =	shalt  }
0x4d: {  	_ =	shalt  }
0x4e: {  	_ =	shalt  }
0x4f: {  	_ =	shalt  }
0x50: {  	_ =	shalt  }
0x51: {  	_ =	shalt  }
0x52: {  	_ =	shalt  }
0x53: {  	_ =	shalt  }
0x54: {  	_ =	shalt  }
0x55: {  	_ =	shalt  }
0x56: {  	_ =	shalt  }
0x57: {  	_ =	shalt  }
0x58: {  	_ =	shalt  }
0x59: {  	_ =	shalt  }
0x5a: {  	_ =	shalt  }
0x5b: {  	_ =	shalt  }
0x5c: {  	_ =	shalt  }
0x5d: {  	_ =	shalt  }
0x5e: {  	_ =	shalt  }
0x5f: {  	_ =	shalt  }
0x60: {  	_ =	shalt  }
0x61: {  	_ =	shalt  }
0x62: {  	_ =	shalt  }
0x63: {  	_ =	shalt  }
0x64: {  	_ =	shalt  }
0x65: {  	_ =	shalt  }
0x66: {  	_ =	shalt  }
0x67: {  	_ =	shalt  }
0x68: {  	_ =	shalt  }
0x69: {  	_ =	shalt  }
0x6a: {  	_ =	shalt  }
0x6b: {  	_ =	shalt  }
0x6c: {  	_ =	shalt  }
0x6d: {  	_ =	shalt  }
0x6e: {  	_ =	shalt  }
0x6f: {  	_ =	shalt  }
0x70: {  	_ =	shalt  }
0x71: {  	_ =	shalt  }
0x72: {  	_ =	shalt  }
0x73: {  	_ =	shalt  }
0x74: {  	_ =	shalt  }
0x75: {  	_ =	shalt  }
0x76: {  	_ =	shalt  }
0x77: {  	_ =	shalt  }
0x78: {  	_ =	shalt  }
0x79: {  	_ =	shalt  }
0x7a: {  	_ =	shalt  }
0x7b: {  	_ =	shalt  }
0x7c: {  	_ =	shalt  }
0x7d: {  	_ =	shalt  }
0x7e: {  	_ =	shalt  }
0x7f: {  	_ =	shalt  }
0x80: {  	_ =	shalt  }
0x81: {  	_ =	shalt  }
0x82: {  	_ =	shalt  }
0x83: {  	_ =	shalt  }
0x84: {  	_ =	shalt  }
0x85: {  	_ =	shalt  }
0x86: {  	_ =	shalt  }
0x87: {  	_ =	shalt  }
.Lfunc_end0:
.L_simem_size_0:
called_computation_lowered:
.L_overlay_start_0:
0x88: {  	s2 =	sld [smem:$0x3FD9]  }
0x89: {  	s3 =	sld [smem:$0x3FFE];
	_ =	sdelay $0x1  }
0x8a: {  	s1 =	srdreg.scid  }
0x8b: {  	s0 =	sand.u32 $0x1, s1  }
0x8c: {  	s17 =	sshll.u32 s0, $0xA;
	s2 =	sadd.s32 s3, s2  }
0x8d: {  	s2 =	sadd.s32 s2, s17  }
0x8e: {  	[smem:$0x3FC5] =	sst s2  }
0x8f: {  	_ = 	snop  }
0x90: {  	s2 =	sld [smem:$0x3FC9]  }
0x91: {  	s18 =	sld [smem:$0x3FD0];
	(tm) =	ssettm $0x1  }
0x92: {  	s4 =	sld [smem:$0x3FFB];
	_ =	sdelay $0x3  }
0x93: {  	_ =	strace s4  }
0x94: {  	s4 =	sld [smem:$0x3FFC];
	_ =	sdelay $0x3  }
0x95: {  	_ =	strace s4  }
0x96: {  	s4 =	sld [smem:$0x3FFD];
	_ =	sdelay $0x3  }
0x97: {  	_ =	strace s4  }
0x98: {  	_ =	strace $0x8FFFFFFF  }
0x99: {  	s19 =	sld [smem:$0x3FDB];
	_ =	sdelay $0x1  }
0x9a: {  	s5 =	simm.s32 $_scs_section_size  }
0x9b: {  	s6 =	simm.s32 $_size__tile_overlayer_lowered;
	s7 =	simm.s32 $_tile_overlayer_lowered  }
0x9c: {  	s22 =	simm.s32 $0x1BFF;
	s21 =	sshll.u32 s7, $0x1;
	s4 =	sadd.s32 s5, s19  }
0x9d: {  	s8 =	simm.s32 $0x0;
	s20 =	sshll.u32 s6, $0x1;
	s6 =	sadd.s32 s21, s4  }
0x9e: {  	[timem:s8], [sflag:s22] =	dma.local [hbm:s6], s20  }
0x9f: {  	_ =	swait.ge [sflag:s22], s20  }
0xa0: {  	s5 =	ssub.s32 $0x0, s20;
	[sflag:s22] =	ssyncset.done $0x0  }
0xa1: {  	[sflag:s22] =	ssyncadd.s32 s5;
	_ =	sdelay $0x1  }
0xa2: {  	s23 =	simm.s32 $0x1B8B  }
0xa3: {  	_ =	swait.ge [sflag:s23], $0x1  }
0xa4: {  	[sflag:s23] =	ssyncset.done $0x0  }
0xa5: {  	s25 =	simm.s32 $0x1B8E;
	s24 =	sld [smem:$0x3FFE];
	[sflag:s23] =	ssyncadd.s32 $0xFFFFFFFF  }
0xa6: {  	s26 =	simm.s32 $execute0_lowered;
	[smem:$0x3FD2] =	sst s25  }
0xa7: {  	s6 =	sshll.u32 s26, $0x1;
	_ =	strace $0x80000046;
	[dreg:$0x1] =	wrdreg $0xFFFFFFFF  }
0xa8: {  	s28 =	simm.s32 $_size_execute0_lowered;
	s4 =	sadd.s32 s4, s6;
	[dreg:$0x0] =	wrdreg $0x0  }
0xa9: {  	s6 =	sshll.u32 s28, $0x1;
	[dreg:$0x2] =	wrdreg s4  }
0xaa: {  	[dreg:$0x3] =	wrdreg s6  }
0xab: {  	[dreg:$0x4] =	wrdreg $0xC0  }
0xac: {  	_ =	task [dreg:s8], $0x5FFFF  }
0xad: {  	[dreg:$0x1] =	wrdreg $0xFFFFFFFF  }
0xae: {  	[dreg:$0x0] =	wrdreg $0x60  }
0xaf: {  	[dreg:$0x2] =	wrdreg s2  }
0xb0: {  	[dreg:$0x3] =	wrdreg s24  }
0xb1: {  	[dreg:$0x4] =	wrdreg s18  }
0xb2: {  	[dreg:$0x5] =	wrdreg $0x9  }
0xb3: {  	_ =	task.clear_ibuf [dreg:s8], $0x6FFFF;
	_ =	strace $0x90000046  }
0xb4: {  	s29 =	simm.s32 $0x9;
	_ =	strace $0x80000048  }
0xb5: {  	_ =	swait.ge [sflag:s29], $0x1  }
0xb6: {  	[sflag:s29] =	ssyncadd.s32 $0xFFFFFFFF  }
0xb7: {  	_ =	strace $0x90000048  }
0xb8: {  	_ =	sfence  }
0xb9: {  	s30 =	sld [smem:$0x0];
	_ =	sdelay $0x2  }
0xba: {  	s31 =	sshll.u32 s1, $0xD;
	s1 =	sshrl.u32 s1, $0x2  }
0xbb: {  	s3 =	sand.u32 $0x4000, s31;
	s1 =	sadd.s32 s1, s30  }
0xbc: {  	s0 =	sor.u32 s3, s0;
	s1 =	sshll.u32 s1, $0x11  }
0xbd: {  	s0 =	sor.u32 s1, s0  }
0xbe: {  	s0 =	sadd.s32 $0x8F2B, s0  }
0xbf: {  	[sflag:s0] =	ssyncadd.remote.s32 $0x1  }
0xc0: {  	_ =	sfence.sel $0xFFFF  }
0xc1: {  	[dreg:$0x0] =	wrdreg $0xFFFFFFFF;
	(pc) =	sbr.abs _section_cstart, $3  }
0xc2: {  	[dreg:$0x1] =	wrdreg $0xFFFFFFFF  }
0xc3: {  	_ =	task.clear_ibuf [dreg:s8], $0x2FFFF;
	_ =	strace $0x9FFFFFFF  }
0xc4: {  	(tm) =	ssettm $0x7FFFFFFF  }
0xc5: {  	_ =	shalt  }
tec
execute0_lowered:
.L_overlay_start_1:
0x0: {  	(tag) =	ssettag $0x1  }
0x1: {  	s4 =	rddreg [dreg:$0x0]  }
0x2: {  	s3 =	rddreg [dreg:$0x1]  }
0x3: {  	s12 =	rddreg [dreg:$0x2];
	s2 =	srdreg.scid  }
0x4: {  	s1 =	stileid.u32;
	s0 =	rddreg [dreg:$0x3]  }
0x5: {  	s13 =	sand.u32 $0x1, s2;
	s30 =	sshll.u32 s1, $0x6;
	s15 =	sshrl.u32 s1, $0x1  }
0x6: {  	s2 =	simm.s32 $0x0;
	s5 =	sshll.u32 s13, $0x5;
	s6 =	sand.u32 $0x40, s30  }
0x7: {  	s31 =	sshll.u32 s15, $0x9;
	[smem:$0x7FF] =	sst s2;
	s14 =	sor.u32 s5, s6  }
0x8: {  	s3 =	sadd.s32 $0xC00, s3;
	_ =	strace $0x80000047;
	s5 =	sor.u32 s31, s14  }
0x9: {  	[tilespmem:s2], [sflag:$0x1] =	stream.linear.gather [hbm4b:s3+s2], $0x180, $0x38;
	[tilespmem:$0x580] =	vst v63  }
0xa: {  	s5 =	sshrl.u32 s5, $0x3  }
0xb: {  	s6 =	simm.s32 $0x200;
	s4 =	sadd.s32 s4, s5  }
0xc: {  	[tilespmem:s6], [sflag:$0x1] =	stream.linear.gather [hbm4b:s4+s2], $0x20, $0x38;
	[tilespmem:$0x580] =	vst v63  }
0xd: {  	s8 =	simm.s32 $0x280;
	s7 =	sadd.s32 $0x10, s4  }
0xe: {  	[tilespmem:s8], [sflag:$0x1] =	stream.linear.gather [hbm4b:s7+s2], $0x20, $0x38;
	[tilespmem:$0x580] =	vst v63  }
0xf: {  	s10 =	simm.s32 $0x300;
	s5 =	simm.s32 $0x1;
	s9 =	sadd.s32 $0x20, s4  }
0x10: {  	[tilespmem:s10], [sflag:$0x1] =	stream.linear.gather [hbm4b:s9+s2], $0x20, $0x38;
	[tilespmem:$0x580] =	vst v63  }
0x11: {  	_ =	swait.ge [sflag:s5], $0x180  }
0x12: {  	[sflag:s5] =	ssyncset.done $0x0  }
0x13: {  	[sflag:s5] =	ssyncadd.s32 $0xFFFFFE80  }
0x14: {  	_ =	swait.ge [sflag:s5], $0x20  }
0x15: {  	[sflag:s5] =	ssyncset.done $0x0  }
0x16: {  	[sflag:s5] =	ssyncadd.s32 $0xFFFFFFE0  }
0x17: {  	_ =	swait.ge [sflag:s5], $0x20  }
0x18: {  	[sflag:s5] =	ssyncset.done $0x0  }
0x19: {  	[sflag:s5] =	ssyncadd.s32 $0xFFFFFFE0  }
0x1a: {  	_ =	swait.ge [sflag:s5], $0x20  }
0x1b: {  	[sflag:s5] =	ssyncset.done $0x0  }
0x1c: {  	[sflag:s5] =	ssyncadd.s32 $0xFFFFFFE0  }
0x1d: {  	v0 =	vld [tilespmem:$0x0];
	_ =	sdelay $0x1  }
0x1e: {  	v1 =	vld [tilespmem:$0x80];
	_ =	sdelay $0x2  }
0x1f: {  	v0 =	vmul.u32 $0x3, v0;
	_ =	sdelay $0x1  }
0x20: {  	v2 =	vld [tilespmem:$0x100];
	v1 =	vadd.s32 v1, v0;
	_ =	sdelay $0x2  }
0x21: {  	v0 =	vimm.f32 $0.0e+00  }
0x22: {  	s11 =	simm.s32 $0x500;
	[tilespmem:$0x500] =	vst v0  }
0x23: {  	[tilespmem:v1+s11+$0x0] =	vst.idx.add.f32.msk $0xffff, v2  }
0x24: {  	v7 =	vld [tilespmem:$0x500];
	_ =	sdelay $0x1  }
0x25: {  	v8 =	vld [tilespmem:$0x200]  }
0x26: {  	v3 =	vimm.s32 $0x1;
	v9 =	vld [tilespmem:$0x290]  }
0x27: {  	v4 =	vimm.s32 $0x5;
	v5 =	vimm.s32 $0x2;
	v2 =	vimm.s32 $0x0;
	v10 =	vld [tilespmem:$0x280]  }
0x28: {  	v1 =	vimm.s32 $0x3;
	v11 =	vld [tilespmem:$0x210];
	v12 =	vperm.xlane v7, v2;
	v13 =	vperm.xlane v7, v4  }
0x29: {  	v6 =	vimm.s32 $0x4;
	v16 =	vld [tilespmem:$0x300];
	v14 =	vperm.xlane v7, v5;
	v15 =	vperm.xlane v7, v1  }
0x2a: {  	v17 =	vld [tilespmem:$0x310];
	v18 =	vperm.xlane v7, v6;
	v7 =	vperm.xlane v7, v3  }
0x2b: {  	v19 =	vmul.f32 v8, v12;
	v8 =	vmul.f32 v8, v15  }
0x2c: {  	v20 =	vmul.f32 v9, v18;
	v21 =	vmul.f32 v10, v7  }
0x2d: {  	s13 =	ssub.s32 $0x2, s13;
	v12 =	vmul.f32 v11, v12;
	v7 =	vmul.f32 v9, v7  }
0x2e: {  	s16 =	sshrl.u32 s13, $0x1;
	v58 =	vmul.f32 v11, v15;
	v60 =	vmul.f32 v16, v14;
	v59 =	vadd.f32 v21, v19  }
0x2f: {  	s13 =	ssub.s32 s13, s16;
	v10 =	vmul.f32 v10, v18;
	v61 =	vmul.f32 v17, v14;
	v7 =	vadd.f32 v7, v12  }
0x30: {  	s16 =	smax.u32 s13, $0x1;
	v62 =	vmul.f32 v17, v13;
	v9 =	vadd.f32 v20, v58;
	v11 =	vadd.f32 v60, v59  }
0x31: {  	s15 =	sshll.u32 s15, $0x8;
	p0 =	sne.s32 s16, $0x1;
	v63 =	vmul.f32 v16, v13;
	v8 =	vadd.f32 v10, v8;
	v7 =	vadd.f32 v61, v7  }
.Ltmp0:
0x32: {  	s14 =	sor.u32 s15, s14;
	v9 =	vadd.f32 v62, v9;
	[tilespmem:$0x400] =	vst v11;
	(pc) =	sbr.rel @!p0 .LBB2_2-.Ltmp0, $4  }
0x33: {  	s14 =	sshrl.u32 s14, $0x3;
	v8 =	vadd.f32 v63, v8;
	[tilespmem:$0x410] =	vst v7  }
0x34: {  	s15 =	simm.s32 $0x480;
	s12 =	sadd.s32 s12, s14;
	[tilespmem:$0x490] =	vst v9  }
0x35: {  	s13 =	simm.s32 $0x400;
	s16 =	sadd.s32 $0xFFFFFFFF, s16;
	s14 =	sadd.s32 $0x10, s12;
	[tilespmem:$0x480] =	vst v8  }
0x36: {  	[hbm4b:s12+s2] =	stream.linear.scatter [tilespmem:s13], [sflag:$0x1], $0x20, $0x38;
	[tilespmem:$0x580] =	vst v63  }
.LBB2_1:
0x37: {  	[hbm4b:s14+s2] =	stream.linear.scatter [tilespmem:s15], [sflag:$0x1], $0x20, $0x38;
	[tilespmem:$0x580] =	vst v63  }
0x38: {  	p0 =	sne.s32 s16, $0x1;
	s16 =	sadd.s32 $0xFFFFFFFF, s16;
	_ =	swait.ge [sflag:s5], $0x20  }
0x39: {  	[sflag:s5] =	ssyncset.done $0x0  }
0x3a: {  	[sflag:s5] =	ssyncadd.s32 $0xFFFFFFE0  }
0x3b: {  	_ =	swait.ge [sflag:s5], $0x20  }
0x3c: {  	[sflag:s5] =	ssyncset.done $0x0  }
0x3d: {  	[sflag:s5] =	ssyncadd.s32 $0xFFFFFFE0  }
0x3e: {  	[tilespmem:s2], [sflag:$0x1] =	stream.linear.gather [hbm4b:s3+s2], $0x180, $0x38;
	[tilespmem:$0x580] =	vst v63  }
0x3f: {  	_ = 	snop  }
0x40: {  	[tilespmem:s6], [sflag:$0x1] =	stream.linear.gather [hbm4b:s4+s2], $0x20, $0x38;
	[tilespmem:$0x580] =	vst v63  }
0x41: {  	_ = 	snop  }
0x42: {  	[tilespmem:s8], [sflag:$0x1] =	stream.linear.gather [hbm4b:s7+s2], $0x20, $0x38;
	[tilespmem:$0x580] =	vst v63  }
0x43: {  	_ = 	snop  }
0x44: {  	[tilespmem:s10], [sflag:$0x1] =	stream.linear.gather [hbm4b:s9+s2], $0x20, $0x38;
	[tilespmem:$0x580] =	vst v63  }
0x45: {  	_ =	swait.ge [sflag:s5], $0x180  }
0x46: {  	[sflag:s5] =	ssyncset.done $0x0  }
0x47: {  	[sflag:s5] =	ssyncadd.s32 $0xFFFFFE80  }
0x48: {  	_ =	swait.ge [sflag:s5], $0x20  }
0x49: {  	[sflag:s5] =	ssyncset.done $0x0  }
0x4a: {  	[sflag:s5] =	ssyncadd.s32 $0xFFFFFFE0  }
0x4b: {  	_ =	swait.ge [sflag:s5], $0x20  }
0x4c: {  	[sflag:s5] =	ssyncset.done $0x0  }
0x4d: {  	[sflag:s5] =	ssyncadd.s32 $0xFFFFFFE0  }
0x4e: {  	_ =	swait.ge [sflag:s5], $0x20  }
0x4f: {  	[sflag:s5] =	ssyncset.done $0x0  }
0x50: {  	[sflag:s5] =	ssyncadd.s32 $0xFFFFFFE0  }
0x51: {  	v7 =	vld [tilespmem:$0x0];
	_ =	sdelay $0x1  }
0x52: {  	v8 =	vld [tilespmem:$0x80];
	_ =	sdelay $0x2  }
0x53: {  	v7 =	vmul.u32 $0x3, v7;
	_ =	sdelay $0x1  }
0x54: {  	v9 =	vld [tilespmem:$0x100];
	v7 =	vadd.s32 v8, v7;
	_ =	sdelay $0x3  }
0x55: {  	[tilespmem:$0x500] =	vst v0  }
0x56: {  	[tilespmem:v7+s11+$0x0] =	vst.idx.add.f32.msk $0xffff, v9  }
0x57: {  	v7 =	vld [tilespmem:$0x500]  }
0x58: {  	v8 =	vld [tilespmem:$0x310]  }
0x59: {  	v9 =	vld [tilespmem:$0x200]  }
0x5a: {  	v10 =	vld [tilespmem:$0x290]  }
0x5b: {  	v11 =	vld [tilespmem:$0x210]  }
0x5c: {  	v12 =	vperm.xlane v7, v2;
	v13 =	vperm.xlane v7, v4;
	v14 =	vld [tilespmem:$0x280]  }
0x5d: {  	v15 =	vperm.xlane v7, v5;
	v16 =	vperm.xlane v7, v1  }
0x5e: {  	v17 =	vperm.xlane v7, v6;
	v18 =	vld [tilespmem:$0x300];
	v19 =	vmul.f32 v9, v12  }
0x5f: {  	v7 =	vperm.xlane v7, v3;
	v20 =	vmul.f32 v8, v13  }
0x60: {  	v9 =	vmul.f32 v9, v16;
	v21 =	vmul.f32 v10, v17  }
0x61: {  	v12 =	vmul.f32 v11, v12;
	v22 =	vmul.f32 v14, v7  }
0x62: {  	v7 =	vmul.f32 v10, v7;
	v10 =	vmul.f32 v11, v16  }
0x63: {  	v14 =	vmul.f32 v14, v17;
	v11 =	vadd.f32 v22, v19;
	v16 =	vmul.f32 v18, v15  }
0x64: {  	v8 =	vmul.f32 v8, v15;
	v7 =	vadd.f32 v7, v12;
	v10 =	vadd.f32 v21, v10  }
0x65: {  	v9 =	vadd.f32 v14, v9;
	v12 =	vmul.f32 v18, v13;
	v11 =	vadd.f32 v16, v11  }
0x66: {  	v7 =	vadd.f32 v8, v7;
	v8 =	vadd.f32 v20, v10  }
.Ltmp1:
0x67: {  	v9 =	vadd.f32 v12, v9;
	[tilespmem:$0x400] =	vst v11;
	(pc) =	sbr.rel @p0 .LBB2_1-.Ltmp1, $4  }
0x68: {  	[tilespmem:$0x410] =	vst v7  }
0x69: {  	[tilespmem:$0x490] =	vst v8  }
0x6a: {  	[tilespmem:$0x480] =	vst v9  }
0x6b: {  	[hbm4b:s12+s2] =	stream.linear.scatter [tilespmem:s13], [sflag:$0x1], $0x20, $0x38;
	[tilespmem:$0x580] =	vst v63  }
.LBB2_2:
0x6c: {  	[hbm4b:s14+s2] =	stream.linear.scatter [tilespmem:s15], [sflag:$0x1], $0x20, $0x38;
	[tilespmem:$0x580] =	vst v63  }
0x6d: {  	_ =	swait.ge [sflag:s5], $0x20  }
0x6e: {  	[sflag:s5] =	ssyncset.done $0x0  }
0x6f: {  	[sflag:s5] =	ssyncadd.s32 $0xFFFFFFE0  }
0x70: {  	_ =	swait.ge [sflag:s5], $0x20  }
0x71: {  	[sflag:s5] =	ssyncset.done $0x0  }
0x72: {  	[sflag:s5] =	ssyncadd.s32 $0xFFFFFFE0  }
0x73: {  	_ =	sfence.sel $0x180000  }
0x74: {  	[bflag:$0x0] =	sbarrier.arrive $0xFFFF  }
0x75: {  	p0 =	sne.s32 s1, $0x0;
	_ =	strace $0x90000047  }
0x76: {  	s0 =	sadd.s32 @!p0 $0x100000, s0;
	[bflag:$0x2] =	sbarrier.arrive $0xFFFF  }
0x77: {  	[sflag:s0] =	ssyncadd.tile.s32 @!p0 $0x1;
	_ =	shalt  }
.Lfunc_end2:
_tile_overlayer_lowered:
.L_overlay_start_2:
0x78: {  	(tag) =	ssettag $0x2  }
0x79: {  	s0 =	rddreg [dreg:$0x0];
	s2 =	stileid.u32  }
0x7a: {  	s1 =	rddreg [dreg:$0x1];
	p0 =	sne.s32 s2, $0x0  }
0x7b: {  	s3 =	rddreg [dreg:$0x2];
	[bflag:$0x3] =	sbarrier.arrive $0xFFFF;
	s2 =	simm.s32 @!p0 $0x1C02  }
0x7c: {  	[timem:s3], [sflag:s2] =	dma.local @!p0 [hbm:s0], s1  }
0x7d: {  	s0 =	simm.s32 @!p0 $0x2  }
0x7e: {  	_ =	swait.ge @!p0 [sflag:s0], s1  }
0x7f: {  	s1 =	ssub.s32 @!p0 $0x0, s1;
	[sflag:s0] =	ssyncset.done @!p0 $0x0  }
0x80: {  	[sflag:s0] =	ssyncadd.s32 @!p0 s1  }
0x81: {  	[bflag:$0x3] =	sbarrier.arrive $0xFFFF  }
0x82: {  	_ =	shalt  }

</sc_bundles>
